<compile_context>
chip_gen: v7x
topology: tpu7x:2x2x1
jax: 0.10.2.dev20260603
libtpu: 0.0.44.dev20260713+nightly
codegen_flags: <defaults>
</compile_context>

<pallas_src>
import jax
import jax.numpy as jnp
from jax import lax
from jax.experimental import pallas as pl
from jax.experimental.pallas import tpu as pltpu
from jax.experimental.pallas import tpu_sc as plsc

_SEQ = 2048
_NOUT = 1000
_NIN = 1000
_LANES = 16
_TBLK = 512


def _sc_counters_body(seq_hbm, delta_hbm, out_hbm, seq_v, delta_v, out_v):
    cid = lax.axis_index("c")
    sid = lax.axis_index("s")

    @pl.when(jnp.logical_and(cid == 0, sid == 0))
    def _():
        pltpu.sync_copy(seq_hbm, seq_v)
        pltpu.sync_copy(delta_hbm, delta_v)

        def body(i, carry):
            idx = seq_v[pl.ds(i * _LANES, _LANES)]
            g = plsc.load_gather(delta_v, [idx])
            out_v[pl.ds(i * _LANES, _LANES)] = plsc.cumsum(g) + carry
            return carry + jnp.sum(g)

        lax.fori_loop(0, _SEQ // _LANES, body, jnp.float32(0.0))
        pltpu.sync_copy(out_v, out_hbm.at[0])


def _sc_counters(input_seq, delta):
    mesh = plsc.VectorSubcoreMesh(core_axis_name="c", subcore_axis_name="s")
    return pl.kernel(
        _sc_counters_body,
        out_type=jax.ShapeDtypeStruct((1, _SEQ), jnp.float32),
        mesh=mesh,
        scratch_types=[
            pltpu.VMEM((_SEQ,), jnp.int32),
            pltpu.VMEM((_NIN,), jnp.float32),
            pltpu.VMEM((_SEQ,), jnp.float32),
        ],
        compiler_params=pltpu.CompilerParams(
            needs_layout_passes=False, skip_device_barrier=True
        ),
    )(input_seq, delta)


def _dense_body(c_ref, w_ref, b_ref, o_ref):
    logits = w_ref[...] * c_ref[...] + b_ref[...]
    m = jnp.max(logits, axis=0, keepdims=True)
    e = jnp.exp(logits - m)
    o_ref[...] = e / jnp.sum(e, axis=0, keepdims=True)


def _dense_softmax_t(counters_row, W, bcol):
    return pl.pallas_call(
        _dense_body,
        grid=(_SEQ // _TBLK,),
        in_specs=[
            pl.BlockSpec((1, _TBLK), lambda i: (0, i)),
            pl.BlockSpec((_NOUT, 1), lambda i: (0, 0)),
            pl.BlockSpec((_NOUT, 1), lambda i: (0, 0)),
        ],
        out_specs=pl.BlockSpec((_NOUT, _TBLK), lambda i: (0, i)),
        out_shape=jax.ShapeDtypeStruct((_NOUT, _SEQ), jnp.float32),
    )(counters_row, W, bcol)


def kernel(input_seq, delta, W, b):
    counters_row = _sc_counters(input_seq, delta)
    out_t = _dense_softmax_t(counters_row, W, b[:, None])
    return out_t.T

# --- scband reference (transcript-rebuilt; emitter-appended) ---
"""Pipeline reference for scband-single-counter-13022340842112 (READ-ONLY COPY).

The authoritative reference and input builder live on the scoring server;
editing this copy changes nothing except your own understanding.
"""

import jax, jax.numpy as jnp
import numpy as np

NUM_INPUTS = 1000
NUM_OUTPUTS = 1000
SEQ_LEN = 2048


def setup_inputs(seed: int = 0) -> dict:
    key = jax.random.key(seed)
    k1, k2, k3, k4 = jax.random.split(key, 4)
    input_seq = jax.random.randint(k1, (SEQ_LEN,), 0, NUM_INPUTS, dtype=jnp.int32)
    # learned params: _delta (init zeros in torch; use small noise so output is nontrivial)
    delta = jax.random.normal(k2, (NUM_INPUTS,), dtype=jnp.float32) * 0.02
    # nn.Linear(1, num_outputs): weight [num_outputs, 1], bias [num_outputs]
    W = jax.random.normal(k3, (NUM_OUTPUTS, 1), dtype=jnp.float32)
    b = jax.random.normal(k4, (NUM_OUTPUTS,), dtype=jnp.float32) * 0.01
    return {"input_seq": input_seq, "delta": delta, "W": W, "b": b}


def reference(input_seq, delta, W, b):
    # counter_t = sum_{i<=t} delta[input_seq[i]]  (the python loop is a prefix sum)
    gathered = jnp.take(delta, input_seq, axis=0)          # [L] embedding gather
    counters = jnp.cumsum(gathered)                        # [L] running counter
    # Linear(1, num_outputs) applied to scalar counter: logits = counter * W[:,0] + b
    logits = counters[:, None] * W[:, 0][None, :] + b[None, :]  # [L, num_outputs]
    return jax.nn.softmax(logits, axis=-1)                 # [L, num_outputs]

if __name__ == "__main__":
    import jax
    _d = setup_inputs()
    print(jax.jit(kernel)(*tuple(_d.values())))

</pallas_src>

<mosaic_0001>
#map = affine_map<(d0, d1) -> (0)>
#map1 = affine_map<(d0, d1) -> (0, 0)>
module attributes {stable_mosaic.version = 14 : i64} {
  func.func @_sc_counters_body(%arg0: i32, %arg1: i32, %arg2: memref<2048xi32, #tpu.memory_space<hbm>>, %arg3: memref<1000xf32, #tpu.memory_space<hbm>>, %arg4: memref<1x2048xf32, #tpu.memory_space<hbm>>, %arg5: memref<2048xi32, #tpu.memory_space<vmem>>, %arg6: memref<1000xf32, #tpu.memory_space<vmem>>, %arg7: memref<2048xf32, #tpu.memory_space<vmem>>) attributes {dimension_semantics = [#tpu.dimension_semantics<core_parallel>, #tpu.dimension_semantics<subcore_parallel>], iteration_bounds = array<i64: 2, 16>, scalar_prefetch = 0 : i64, scratch_operands = 3 : i64, tpu.core_type = #tpu.core_type<sc_vector_subcore>, window_params = [{transform_indices = #map}, {transform_indices = #map}, {transform_indices = #map1}]} {
    %eq3A = arith.constant 0 : i32
    %eq3A_0 = arith.cmpi eq, %arg0, %eq3A : i32
    %eq3A_1 = arith.constant 0 : i32
    %eq3A_2 = arith.cmpi eq, %arg1, %eq3A_1 : i32
    %and3A = arith.andi %eq3A_0, %eq3A_2 : i1
    %convert_element_type3A = arith.extui %and3A : i1 to i32
    %cond3A = arith.constant 0 : i32
    %cond3A_3 = arith.cmpi ne, %convert_element_type3A, %cond3A : i32
    scf.if %cond3A_3 {
      "tpu.region"() ({
        %run_scoped3A_10 = tpu.sem_alloc : memref<!tpu.dma_semaphore, #tpu.memory_space<semaphore_mem>>
        tpu.enqueue_dma source(%arg2 : memref<2048xi32, #tpu.memory_space<hbm>>) target(%arg5 : memref<2048xi32, #tpu.memory_space<vmem>>) target_semaphore(%run_scoped3A_10 : memref<!tpu.dma_semaphore, #tpu.memory_space<semaphore_mem>>)
        tpu.wait_dma2 semaphore(%run_scoped3A_10 : memref<!tpu.dma_semaphore, #tpu.memory_space<semaphore_mem>>) src(%arg2 : memref<2048xi32, #tpu.memory_space<hbm>>) dst(%arg5 : memref<2048xi32, #tpu.memory_space<vmem>>)
        tpu.yield
      }) : () -> ()
      "tpu.region"() ({
        %run_scoped3A_10 = tpu.sem_alloc : memref<!tpu.dma_semaphore, #tpu.memory_space<semaphore_mem>>
        tpu.enqueue_dma source(%arg3 : memref<1000xf32, #tpu.memory_space<hbm>>) target(%arg6 : memref<1000xf32, #tpu.memory_space<vmem>>) target_semaphore(%run_scoped3A_10 : memref<!tpu.dma_semaphore, #tpu.memory_space<semaphore_mem>>)
        tpu.wait_dma2 semaphore(%run_scoped3A_10 : memref<!tpu.dma_semaphore, #tpu.memory_space<semaphore_mem>>) src(%arg3 : memref<1000xf32, #tpu.memory_space<hbm>>) dst(%arg6 : memref<1000xf32, #tpu.memory_space<vmem>>)
        tpu.yield
      }) : () -> ()
      %scan3A = arith.constant 0.000000e+00 : f32
      %scan3A_4 = arith.constant 0 : i32
      %scan3A_5 = arith.constant 128 : i32
      %scan3A_6 = arith.addi %scan3A_4, %scan3A_5 : i32
      %scan3A_7 = arith.constant 1 : i32
      %scan3A_8 = scf.for %scan3A_10 = %scan3A_4 to %scan3A_6 step %scan3A_7 iter_args(%scan3A_11 = %scan3A) -> (f32)  : i32 {
        %mul3A = arith.constant 16 : i32
        %mul3A_12 = arith.muli %scan3A_10, %mul3A : i32
        %get3A = arith.index_cast %mul3A_12 : i32 to index
        %get3A_13 = tpu.vector_load %arg5[%get3A] {strides = array<i32>} : memref<2048xi32, #tpu.memory_space<vmem>>, vector<16xi32>,
        %gather3A = tpu.vector_load_idx %arg6[%get3A_13] : memref<1000xf32, #tpu.memory_space<vmem>>[vector<16xi32>], vector<16xf32>,
        %broadcast_in_dim3A = arith.constant true
        %broadcast_in_dim3A_14 = vector.broadcast %broadcast_in_dim3A : i1 to vector<16xi1>
        %masked_cumsum3A = tpu.scan <sum>, %gather3A masked %broadcast_in_dim3A_14 : vector<16xf32>, vector<16xi1> -> vector<16xf32>
        %add3A = vector.broadcast %scan3A_11 : f32 to vector<16xf32>
        %add3A_15 = arith.addf %masked_cumsum3A, %add3A : vector<16xf32>
        %mul3A_16 = arith.constant 16 : i32
        %mul3A_17 = arith.muli %scan3A_10, %mul3A_16 : i32
        %swap3A = arith.index_cast %mul3A_17 : i32 to index
        %swap3A_18 = tpu.vector_load %arg7[%swap3A] {strides = array<i32>} : memref<2048xf32, #tpu.memory_space<vmem>>, vector<16xf32>,
        tpu.vector_store %arg7[%swap3A], %add3A_15 {strides = array<i32>} : memref<2048xf32, #tpu.memory_space<vmem>>, vector<16xf32>,
        %reduce_sum3A = arith.constant true
        %reduce_sum3A_19 = vector.broadcast %reduce_sum3A : i1 to vector<16xi1>
        %reduce_sum3A_20 = tpu.scan <sum>, %gather3A masked %reduce_sum3A_19 : vector<16xf32>, vector<16xi1> -> vector<16xf32>
        %reduce_sum3A_21 = vector.extract %reduce_sum3A_20[15] : f32 from vector<16xf32>
        %add3A_22 = arith.addf %scan3A_11, %reduce_sum3A_21 : f32
        scf.yield %add3A_22 : f32
      }
      %scan3A_9 = arith.constant 128 : i32
      %run_scoped3A = arith.constant 0 : i32
      "tpu.region"() ({
        %run_scoped3A_10 = tpu.sem_alloc : memref<!tpu.dma_semaphore, #tpu.memory_space<semaphore_mem>>
        %dma_start3A = arith.constant 0 : i32
        %dma_start3A_11 = tpu.memref_slice %arg4[%run_scoped3A, %dma_start3A] : memref<1x2048xf32, #tpu.memory_space<hbm>> -> memref<1x2048xf32, #tpu.memory_space<hbm>>
        %dma_start3A_12 = tpu.memref_squeeze %dma_start3A_11 : memref<1x2048xf32, #tpu.memory_space<hbm>> -> memref<2048xf32, #tpu.memory_space<hbm>>
        %dma_start3A_13 = arith.constant 0 : i32
        %dma_start3A_14 = tpu.memref_slice %arg4[%run_scoped3A, %dma_start3A_13] : memref<1x2048xf32, #tpu.memory_space<hbm>> -> memref<1x2048xf32, #tpu.memory_space<hbm>>
        %dma_start3A_15 = tpu.memref_squeeze %dma_start3A_14 : memref<1x2048xf32, #tpu.memory_space<hbm>> -> memref<2048xf32, #tpu.memory_space<hbm>>
        tpu.enqueue_dma source(%arg7 : memref<2048xf32, #tpu.memory_space<vmem>>) target(%dma_start3A_15 : memref<2048xf32, #tpu.memory_space<hbm>>) target_semaphore(%run_scoped3A_10 : memref<!tpu.dma_semaphore, #tpu.memory_space<semaphore_mem>>)
        %dma_wait3A = arith.constant 0 : i32
        %dma_wait3A_16 = tpu.memref_slice %arg4[%run_scoped3A, %dma_wait3A] : memref<1x2048xf32, #tpu.memory_space<hbm>> -> memref<1x2048xf32, #tpu.memory_space<hbm>>
        %dma_wait3A_17 = tpu.memref_squeeze %dma_wait3A_16 : memref<1x2048xf32, #tpu.memory_space<hbm>> -> memref<2048xf32, #tpu.memory_space<hbm>>
        %dma_wait3A_18 = arith.constant 0 : i32
        %dma_wait3A_19 = tpu.memref_slice %arg4[%run_scoped3A, %dma_wait3A_18] : memref<1x2048xf32, #tpu.memory_space<hbm>> -> memref<1x2048xf32, #tpu.memory_space<hbm>>
        %dma_wait3A_20 = tpu.memref_squeeze %dma_wait3A_19 : memref<1x2048xf32, #tpu.memory_space<hbm>> -> memref<2048xf32, #tpu.memory_space<hbm>>
        tpu.wait_dma2 semaphore(%run_scoped3A_10 : memref<!tpu.dma_semaphore, #tpu.memory_space<semaphore_mem>>) src(%arg7 : memref<2048xf32, #tpu.memory_space<vmem>>) dst(%dma_wait3A_20 : memref<2048xf32, #tpu.memory_space<hbm>>)
        tpu.yield
      }) : () -> ()
    } else {
    }
    return
  }
}

module attributes {stable_mosaic.version = 14 : i64} {
  func.func @_dense_body(%arg0: i32, %arg1: memref<1x512xf32, #tpu.memory_space<vmem>>, %arg2: memref<1000x1xf32, #tpu.memory_space<vmem>>, %arg3: memref<1000x1xf32, #tpu.memory_space<vmem>>, %arg4: memref<1000x512xf32, #tpu.memory_space<vmem>>) attributes {dimension_semantics = [#tpu.dimension_semantics<arbitrary>], iteration_bounds = array<i64: 4>, scalar_prefetch = 0 : i64, scratch_operands = 0 : i64, tpu.core_type = #tpu.core_type<tc>, window_params = [{transform_indices = @transform_0, window_bounds = array<i64: 1, 512>}, {pipeline_mode = #tpu.pipeline_mode<synchronous>, transform_indices = @transform_1, window_bounds = array<i64: 1000, 1>}, {pipeline_mode = #tpu.pipeline_mode<synchronous>, transform_indices = @transform_2, window_bounds = array<i64: 1000, 1>}, {transform_indices = @transform_3, window_bounds = array<i64: 1000, 512>}]} {
    %get3A = arith.constant 0 : index
    %get3A_0 = arith.constant 0 : index
    %get3A_1 = vector.load %arg2[%get3A, %get3A_0] : memref<1000x1xf32, #tpu.memory_space<vmem>>, vector<1000x1xf32>
    %get3A_2 = arith.constant 0 : index
    %get3A_3 = arith.constant 0 : index
    %get3A_4 = vector.load %arg1[%get3A_2, %get3A_3] : memref<1x512xf32, #tpu.memory_space<vmem>>, vector<1x512xf32>
    %mul3A = vector.broadcast %get3A_1 : vector<1000x1xf32> to vector<1000x512xf32>
    %mul3A_5 = vector.broadcast %get3A_4 : vector<1x512xf32> to vector<1000x512xf32>
    %mul3A_6 = arith.mulf %mul3A, %mul3A_5 : vector<1000x512xf32>
    %get3A_7 = arith.constant 0 : index
    %get3A_8 = arith.constant 0 : index
    %get3A_9 = vector.load %arg3[%get3A_7, %get3A_8] : memref<1000x1xf32, #tpu.memory_space<vmem>>, vector<1000x1xf32>
    %add3A = vector.broadcast %get3A_9 : vector<1000x1xf32> to vector<1000x512xf32>
    %add3A_10 = arith.addf %mul3A_6, %add3A : vector<1000x512xf32>
    %reduce_max3A = arith.constant dense<0xFF800000> : vector<512xf32>
    %reduce_max3A_11 = vector.multi_reduction <maximumf>, %add3A_10, %reduce_max3A [0] : vector<1000x512xf32> to vector<512xf32>
    %broadcast_in_dim3A = vector.shape_cast %reduce_max3A_11 : vector<512xf32> to vector<1x512xf32>
    %sub3A = vector.broadcast %broadcast_in_dim3A : vector<1x512xf32> to vector<1000x512xf32>
    %sub3A_12 = arith.subf %add3A_10, %sub3A : vector<1000x512xf32>
    %exp3A = math.exp %sub3A_12 : vector<1000x512xf32>
    %reduce_sum3A = arith.constant dense<0.000000e+00> : vector<512xf32>
    %reduce_sum3A_13 = vector.multi_reduction <add>, %exp3A, %reduce_sum3A [0] : vector<1000x512xf32> to vector<512xf32>
    %broadcast_in_dim3A_14 = vector.shape_cast %reduce_sum3A_13 : vector<512xf32> to vector<1x512xf32>
    %div3A = vector.broadcast %broadcast_in_dim3A_14 : vector<1x512xf32> to vector<1000x512xf32>
    %div3A_15 = arith.divf %exp3A, %div3A : vector<1000x512xf32>
    %swap3A = arith.constant 0 : index
    %swap3A_16 = arith.constant 0 : index
    %swap3A_17 = vector.load %arg4[%swap3A, %swap3A_16] : memref<1000x512xf32, #tpu.memory_space<vmem>>, vector<1000x512xf32>
    tpu.vector_store %arg4[%swap3A, %swap3A_16], %div3A_15 {strides = array<i32>} : memref<1000x512xf32, #tpu.memory_space<vmem>>, vector<1000x512xf32>,
    return
  }
  func.func @transform_0(%arg0: i32) -> (i32, i32) {
    %c0_i32 = arith.constant 0 : i32
    %c0_i32_0 = arith.constant 0 : i32
    return %c0_i32, %arg0 : i32, i32
  }
  func.func @transform_1(%arg0: i32) -> (i32, i32) {
    %c0_i32 = arith.constant 0 : i32
    %c0_i32_0 = arith.constant 0 : i32
    %c0_i32_1 = arith.constant 0 : i32
    return %c0_i32, %c0_i32_0 : i32, i32
  }
  func.func @transform_2(%arg0: i32) -> (i32, i32) {
    %c0_i32 = arith.constant 0 : i32
    %c0_i32_0 = arith.constant 0 : i32
    %c0_i32_1 = arith.constant 0 : i32
    return %c0_i32, %c0_i32_0 : i32, i32
  }
  func.func @transform_3(%arg0: i32) -> (i32, i32) {
    %c0_i32 = arith.constant 0 : i32
    %c0_i32_0 = arith.constant 0 : i32
    return %c0_i32, %arg0 : i32, i32
  }
}

</mosaic_0001>

<sc_bundles>
// kernel: kernel.4.cloned.1.call-start
scs
__scs_entry_jumppad:
0x0: {  	(pc) =	sbr.rel $0x88, $3  }
0x1: {  	(tag) =	ssettag $0x0;
	lr =	simm.s32 $0x1  }
0x2: {  	[smem:$0x3F9D] =	sst lr;
	_ =	strace $0xD0000000  }
0x3: {  	_ = 	snop  }
0x4: {  	_ = 	snop  }
0x5: {  	_ = 	snop  }
0x6: {  	_ = 	snop  }
0x7: {  	_ = 	snop  }
__scs_overlays_trampoline_lowered:
0x8: {  	[smem:$0x3FAC] =	sst s0  }
0x9: {  	[smem:$0x3FAD] =	sst s1  }
0xa: {  	[smem:$0x3FAE] =	sst s2  }
0xb: {  	[smem:$0x3FAF] =	sst s3  }
0xc: {  	[smem:$0x3FB0] =	sst s4  }
0xd: {  	[smem:$0x3FB1] =	sst s5  }
0xe: {  	[smem:$0x3FB2] =	sst s6  }
0xf: {  	[smem:$0x3FB3] =	sst s7  }
0x10: {  	[smem:$0x3FB4] =	sst s8  }
0x11: {  	[smem:$0x3FB5] =	sst s9;
	s0 =	simm.s32 @!p0 $0x0  }
0x12: {  	s1 =	sld [smem:$0x3F9B];
	s0 =	simm.s32 @p0 $0x1  }
0x13: {  	[smem:$0x3FB6] =	sst s0;
	s0 =	simm.s32 @!p1 $0x0  }
0x14: {  	s2 =	sld [smem:$0x3F9A];
	s0 =	simm.s32 @p1 $0x1  }
0x15: {  	[smem:$0x3FB7] =	sst s0;
	s0 =	simm.s32 @!p2 $0x0  }
0x16: {  	s3 =	sld [smem:$0x3FDB];
	s0 =	simm.s32 @p2 $0x1  }
0x17: {  	s4 =	simm.s32 $0x1BF5;
	[smem:$0x3FB9] =	sst s0  }
0x18: {  	s0 =	sld [smem:$0x3F9C];
	_ =	swait.ge [sflag:s4], $0x0  }
0x19: {  	s7 =	sld [smem:$0x3F9D]  }
0x1a: {  	s8 =	sadd.s32 $0xFFFFE003, lr  }
0x1b: {  	s9 =	sadd.s32 $0xFFFFFEF7, lr;
	s5 =	simm.s32 $0xFFFFFFFF;
	p2 =	slt.u32 s8, $0xFFFFF086  }
0x1c: {  	p1 =	slt.u32 s9, $0xF7A;
	s5 =	simm.s32 @!p2 $0x0  }
0x1d: {  	s5 =	simm.s32 @p1 $0x1;
	p0 =	seq.s32 s7, s2  }
0x1e: {  	s7 =	smul.u32 @!p0 $0xF7A, s2;
	p2 =	seq.s32 @!p0 s5, $0x0  }
0x1f: {  	s9 =	smul.u32 $0xF7A, s1;
	s8 =	simm.s32 @!p0 $0x1BF5;
	p2 =	por !p2, p0  }
0x20: {  	[sflag:s8] =	ssyncset.s32 @!p0 $0xFFFFF086;
	s6 =	sadd.s32 @!p0 s3, s7;
	s7 =	simm.s32 @!p0 $0x108  }
0x21: {  	s3 =	sadd.s32 s3, s9;
	s6 =	sadd.s32 @!p0 $0x88, s6;
	s7 =	simm.s32 @p2 $0x1082  }
0x22: {  	[simem:s7], [sflag:s8] =	dma.local @!p0 [hbm:s6], $0xF7A  }
0x23: {  	s9 =	sor.u32 $0xD0000000, s2;
	s6 =	simm.s32 $0x108;
	_ =	swait.ge @!p0 [sflag:s8], $0x0  }
0x24: {  	s3 =	sadd.s32 $0x88, s3;
	s6 =	simm.s32 @!p1 $0x1082;
	[sflag:s4] =	ssyncset.s32 $0xFFFFF086  }
0x25: {  	[simem:s6], [sflag:s4] =	dma.local [hbm:s3], $0xF7A  }
0x26: {  	[smem:$0x3F9D] =	sst s1;
	(tag) =	ssettag s2;
	_ =	strace s9  }
0x27: {  	s1 =	sld [smem:$0x3FAD]  }
0x28: {  	s2 =	sld [smem:$0x3FAE]  }
0x29: {  	s4 =	sld [smem:$0x3FB0]  }
0x2a: {  	p0 =	seq.s32 s5, $0x0;
	s5 =	sld [smem:$0x3FB1]  }
0x2b: {  	s6 =	sld [smem:$0x3FB2]  }
0x2c: {  	s7 =	sld [smem:$0x3FB3]  }
0x2d: {  	s3 =	simm.s32 $0x108;
	s8 =	sld [smem:$0x3FB4]  }
0x2e: {  	s3 =	simm.s32 @!p0 $0x1082;
	s9 =	sld [smem:$0x3FB5]  }
0x2f: {  	lr =	sadd.s32 s0, s3;
	s0 =	sld [smem:$0x3FAC]  }
0x30: {  	s3 =	sld [smem:$0x3FAF]  }
0x31: {  	[smem:$0x3FB8] =	sst s10  }
0x32: {  	s10 =	sld [smem:$0x3FB6];
	_ =	sdelay $0x3  }
0x33: {  	p0 =	seq.s32 s10, $0x1;
	s10 =	sld [smem:$0x3FB8];
	_ =	sdelay $0x3  }
0x34: {  	[smem:$0x3FB8] =	sst s10  }
0x35: {  	s10 =	sld [smem:$0x3FB7];
	_ =	sdelay $0x3  }
0x36: {  	p1 =	seq.s32 s10, $0x1;
	s10 =	sld [smem:$0x3FB8];
	_ =	sdelay $0x3  }
0x37: {  	[smem:$0x3FB8] =	sst s10  }
0x38: {  	s10 =	sld [smem:$0x3FB9]  }
0x39: {  	_ = 	snop;
	(pc) =	sbr.ind lr, $3  }
0x3a: {  	_ = 	snop  }
0x3b: {  	_ = 	snop  }
0x3c: {  	p2 =	seq.s32 s10, $0x1;
	s10 =	sld [smem:$0x3FB8]  }
0x3d: {  	_ =	shalt  }
0x3e: {  	_ =	shalt  }
0x3f: {  	_ =	shalt  }
0x40: {  	_ =	shalt  }
0x41: {  	_ =	shalt  }
0x42: {  	_ =	shalt  }
0x43: {  	_ =	shalt  }
0x44: {  	_ =	shalt  }
0x45: {  	_ =	shalt  }
0x46: {  	_ =	shalt  }
0x47: {  	_ =	shalt  }
0x48: {  	_ =	shalt  }
0x49: {  	_ =	shalt  }
0x4a: {  	_ =	shalt  }
0x4b: {  	_ =	shalt  }
0x4c: {  	_ =	shalt  }
0x4d: {  	_ =	shalt  }
0x4e: {  	_ =	shalt  }
0x4f: {  	_ =	shalt  }
0x50: {  	_ =	shalt  }
0x51: {  	_ =	shalt  }
0x52: {  	_ =	shalt  }
0x53: {  	_ =	shalt  }
0x54: {  	_ =	shalt  }
0x55: {  	_ =	shalt  }
0x56: {  	_ =	shalt  }
0x57: {  	_ =	shalt  }
0x58: {  	_ =	shalt  }
0x59: {  	_ =	shalt  }
0x5a: {  	_ =	shalt  }
0x5b: {  	_ =	shalt  }
0x5c: {  	_ =	shalt  }
0x5d: {  	_ =	shalt  }
0x5e: {  	_ =	shalt  }
0x5f: {  	_ =	shalt  }
0x60: {  	_ =	shalt  }
0x61: {  	_ =	shalt  }
0x62: {  	_ =	shalt  }
0x63: {  	_ =	shalt  }
0x64: {  	_ =	shalt  }
0x65: {  	_ =	shalt  }
0x66: {  	_ =	shalt  }
0x67: {  	_ =	shalt  }
0x68: {  	_ =	shalt  }
0x69: {  	_ =	shalt  }
0x6a: {  	_ =	shalt  }
0x6b: {  	_ =	shalt  }
0x6c: {  	_ =	shalt  }
0x6d: {  	_ =	shalt  }
0x6e: {  	_ =	shalt  }
0x6f: {  	_ =	shalt  }
0x70: {  	_ =	shalt  }
0x71: {  	_ =	shalt  }
0x72: {  	_ =	shalt  }
0x73: {  	_ =	shalt  }
0x74: {  	_ =	shalt  }
0x75: {  	_ =	shalt  }
0x76: {  	_ =	shalt  }
0x77: {  	_ =	shalt  }
0x78: {  	_ =	shalt  }
0x79: {  	_ =	shalt  }
0x7a: {  	_ =	shalt  }
0x7b: {  	_ =	shalt  }
0x7c: {  	_ =	shalt  }
0x7d: {  	_ =	shalt  }
0x7e: {  	_ =	shalt  }
0x7f: {  	_ =	shalt  }
0x80: {  	_ =	shalt  }
0x81: {  	_ =	shalt  }
0x82: {  	_ =	shalt  }
0x83: {  	_ =	shalt  }
0x84: {  	_ =	shalt  }
0x85: {  	_ =	shalt  }
0x86: {  	_ =	shalt  }
0x87: {  	_ =	shalt  }
.Lfunc_end0:
.L_simem_size_0:
called_computation_lowered:
.L_overlay_start_0:
0x88: {  	s2 =	sld [smem:$0x3FD9]  }
0x89: {  	s3 =	sld [smem:$0x3FFE];
	_ =	sdelay $0x1  }
0x8a: {  	s1 =	srdreg.scid  }
0x8b: {  	s0 =	sand.u32 $0x1, s1  }
0x8c: {  	s18 =	sshll.u32 s0, $0xA;
	s2 =	sadd.s32 s3, s2  }
0x8d: {  	s2 =	sadd.s32 s2, s18  }
0x8e: {  	[smem:$0x3FC4] =	sst s2  }
0x8f: {  	_ = 	snop  }
0x90: {  	s2 =	sld [smem:$0x3FC9]  }
0x91: {  	s19 =	sld [smem:$0x3FC8]  }
0x92: {  	s4 =	sld [smem:$0x3FD0];
	(tm) =	ssettm $0x1  }
0x93: {  	s5 =	sld [smem:$0x3FFB];
	_ =	sdelay $0x3  }
0x94: {  	_ =	strace s5  }
0x95: {  	s5 =	sld [smem:$0x3FFC];
	_ =	sdelay $0x3  }
0x96: {  	_ =	strace s5  }
0x97: {  	s5 =	sld [smem:$0x3FFD];
	_ =	sdelay $0x3  }
0x98: {  	_ =	strace s5  }
0x99: {  	_ =	strace $0x8FFFFFFF  }
0x9a: {  	s20 =	sld [smem:$0x3FDB];
	_ =	sdelay $0x1  }
0x9b: {  	s6 =	simm.s32 $_scs_section_size  }
0x9c: {  	s7 =	simm.s32 $_size__tile_overlayer_lowered;
	s8 =	simm.s32 $_tile_overlayer_lowered  }
0x9d: {  	s23 =	simm.s32 $0x1BFF;
	s22 =	sshll.u32 s8, $0x1;
	s5 =	sadd.s32 s6, s20  }
0x9e: {  	s9 =	simm.s32 $0x0;
	s21 =	sshll.u32 s7, $0x1;
	s7 =	sadd.s32 s22, s5  }
0x9f: {  	[timem:s9], [sflag:s23] =	dma.local [hbm:s7], s21  }
0xa0: {  	_ =	swait.ge [sflag:s23], s21  }
0xa1: {  	s6 =	ssub.s32 $0x0, s21;
	[sflag:s23] =	ssyncset.done $0x0  }
0xa2: {  	[sflag:s23] =	ssyncadd.s32 s6;
	_ =	sdelay $0x1  }
0xa3: {  	s24 =	simm.s32 $0x1B8B  }
0xa4: {  	_ =	swait.ge [sflag:s24], $0x1  }
0xa5: {  	[sflag:s24] =	ssyncset.done $0x0  }
0xa6: {  	s25 =	simm.s32 $0x1B8E;
	[sflag:s24] =	ssyncadd.s32 $0xFFFFFFFF  }
0xa7: {  	s26 =	simm.s32 $execute0_lowered;
	[smem:$0x3FD2] =	sst s25  }
0xa8: {  	s6 =	sshll.u32 s26, $0x1;
	_ =	strace $0x80000046;
	[dreg:$0x1] =	wrdreg $0xFFFFFFFF  }
0xa9: {  	s28 =	simm.s32 $_size_execute0_lowered;
	s5 =	sadd.s32 s5, s6;
	[dreg:$0x0] =	wrdreg $0x0  }
0xaa: {  	s6 =	sshll.u32 s28, $0x1;
	[dreg:$0x2] =	wrdreg s5  }
0xab: {  	[dreg:$0x3] =	wrdreg s6  }
0xac: {  	[dreg:$0x4] =	wrdreg $0xC0  }
0xad: {  	_ =	task [dreg:s9], $0x5FFFF  }
0xae: {  	[dreg:$0x1] =	wrdreg $0xFFFFFFFF  }
0xaf: {  	[dreg:$0x0] =	wrdreg $0x60  }
0xb0: {  	[dreg:$0x2] =	wrdreg s2  }
0xb1: {  	[dreg:$0x3] =	wrdreg s19  }
0xb2: {  	[dreg:$0x4] =	wrdreg s4  }
0xb3: {  	[dreg:$0x5] =	wrdreg $0x9  }
0xb4: {  	_ =	task.clear_ibuf [dreg:s9], $0x6FFFF;
	_ =	strace $0x90000046  }
0xb5: {  	s29 =	simm.s32 $0x9;
	_ =	strace $0x80000048  }
0xb6: {  	_ =	swait.ge [sflag:s29], $0x1  }
0xb7: {  	[sflag:s29] =	ssyncadd.s32 $0xFFFFFFFF  }
0xb8: {  	_ =	strace $0x90000048  }
0xb9: {  	_ =	sfence  }
0xba: {  	s30 =	sld [smem:$0x0];
	_ =	sdelay $0x2  }
0xbb: {  	s31 =	sshll.u32 s1, $0xD;
	s1 =	sshrl.u32 s1, $0x2  }
0xbc: {  	s3 =	sand.u32 $0x4000, s31;
	s1 =	sadd.s32 s1, s30  }
0xbd: {  	s0 =	sor.u32 s3, s0;
	s1 =	sshll.u32 s1, $0x11  }
0xbe: {  	s0 =	sor.u32 s1, s0  }
0xbf: {  	s0 =	sadd.s32 $0x8F2B, s0  }
0xc0: {  	[sflag:s0] =	ssyncadd.remote.s32 $0x1  }
0xc1: {  	_ =	sfence.sel $0xFFFF  }
0xc2: {  	[dreg:$0x0] =	wrdreg $0xFFFFFFFF;
	(pc) =	sbr.abs _section_cstart, $3  }
0xc3: {  	[dreg:$0x1] =	wrdreg $0xFFFFFFFF  }
0xc4: {  	_ =	task.clear_ibuf [dreg:s9], $0x2FFFF;
	_ =	strace $0x9FFFFFFF  }
0xc5: {  	(tm) =	ssettm $0x7FFFFFFF  }
tec
execute0_lowered:
.L_overlay_start_1:
0x0: {  	(tag) =	ssettag $0x1  }
0x1: {  	s0 =	srdreg.scid  }
0x2: {  	s5 =	sand.u32 $0x1, s0;
	s0 =	stileid.u32  }
0x3: {  	s6 =	sor.u32 s0, s5  }
0x4: {  	p0 =	sne.s32 s6, $0x0  }
.Ltmp0:
0x5: {  	_ = 	snop;
	(pc) =	sbr.rel @p0 .LBB2_5-.Ltmp0, $4  }
0x6: {  	s1 =	rddreg [dreg:$0x0]  }
0x7: {  	s3 =	rddreg [dreg:$0x1]  }
0x8: {  	s4 =	rddreg [dreg:$0x2]  }
0x9: {  	s2 =	rddreg [dreg:$0x3];
	_ =	strace $0x80000047  }
0xa: {  	s5 =	ssub.s32 $0x2, s5;
	s7 =	simm.s32 $0x1  }
0xb: {  	s8 =	simm.s32 $0x800;
	s9 =	simm.s32 $0xC00;
	s6 =	sshrl.u32 s5, $0x1  }
0xc: {  	s10 =	simm.s32 $0x0;
	s5 =	ssub.s32 s5, s6;
	s6 =	simm.s32 $0x0  }
.LBB2_2:
0xd: {  	[tilespmem:s6], [sflag:$0x1] =	stream.linear.gather [hbm4b:s1+s6], $0x800, $0x38;
	[tilespmem:$0x1400] =	vst v63  }
0xe: {  	_ =	swait.ge [sflag:s7], $0x800  }
0xf: {  	[sflag:s7] =	ssyncset.done $0x0  }
0x10: {  	[sflag:s7] =	ssyncadd.s32 $0xFFFFF800  }
0x11: {  	[tilespmem:s8], [sflag:$0x1] =	stream.linear.gather [hbm4b:s3+s6], $0x400, $0x38;
	[tilespmem:$0x1400] =	vst v63  }
0x12: {  	_ =	swait.ge [sflag:s7], $0x400  }
0x13: {  	[sflag:s7] =	ssyncset.done $0x0  }
0x14: {  	s13 =	simm.s32 $0x0;
	[sflag:s7] =	ssyncadd.s32 $0xFFFFFC00  }
0x15: {  	v0 =	vld [tilespmem:s13+$0x0];
	_ =	sdelay $0x7  }
0x16: {  	v0 =	vld.idx.msk [tilespmem:v0+s8+$0x0], $0xffff;
	_ =	sdelay $0x4  }
0x17: {  	(xrf2) =	vadd.scan.msk.f32 $0xffff, v0;
	_ =	sdelay $0x5  }
0x18: {  	s11 =	simm.s32 $0x10  }
0x19: {  	v63 =	vld [tilespmem:s11+$0x0];
	_ =	sdelay $0x2  }
0x1a: {  	v1, _, _ =	vpop (xrf2)  }
0x1b: {  	s12 =	simm.f32 $0.0e+00;
	(v2sf) =	vpush v1, $0xF  }
0x1c: {  	v2 =	vadd.f32 s12, v1;
	_ =	sdelay $0x1  }
0x1d: {  	[tilespmem:s13+$0xC00] =	vst v2  }
0x1e: {  	v0 =	vld.idx.msk [tilespmem:v63+s8+$0x0], $0xffff;
	_ =	sdelay $0x4  }
0x1f: {  	(xrf2) =	vadd.scan.msk.f32 $0xffff, v0;
	_ =	sdelay $0x4  }
0x20: {  	s14 =	simm.s32 $0xC0;
	s13 =	simm.s32 $0x20  }
.LBB2_3:
0x21: {  	p0 =	sne.s32 s14, $0x1FC0;
	v0 =	vld [tilespmem:s13+$0x0];
	s15 =	spop (v2sf)  }
0x22: {  	s12 =	sadd.f32 s15, s12;
	_ =	sdelay $0x2  }
0x23: {  	v1, _, _ =	vpop (xrf2)  }
0x24: {  	v2 =	vadd.f32 s12, v1;
	(v2sf) =	vpush v1, $0xF;
	_ =	sdelay $0x1  }
0x25: {  	[tilespmem:s11+$0xC00] =	vst v2;
	s11 =	smov.u32 s13  }
0x26: {  	v0 =	vld.idx.msk [tilespmem:v0+s8+$0x0], $0xffff;
	_ =	sdelay $0x5  }
0x27: {  	(xrf2) =	vadd.scan.msk.f32 $0xffff, v0  }
.Ltmp1:
0x28: {  	(pc) =	sbr.rel @p0 .LBB2_3-.Ltmp1, $2  }
0x29: {  	_ =	sdelay $0x2  }
0x2a: {  	s13 =	sshra.s32 s14, $0x2;
	s14 =	sadd.s32 $0x40, s14  }
0x2b: {  	v0 =	vld [tilespmem:s13+$0x0];
	_ =	sdelay $0x1  }
0x2c: {  	s14 =	spop (v2sf)  }
0x2d: {  	s12 =	sadd.f32 s14, s12  }
0x2e: {  	v1, _, _ =	vpop (xrf2)  }
0x2f: {  	v2 =	vadd.f32 s12, v1;
	_ =	sdelay $0x1  }
0x30: {  	[tilespmem:s11+$0xC00] =	vst v2  }
0x31: {  	v0 =	vld.idx.msk [tilespmem:v0+s8+$0x0], $0xffff;
	_ =	sdelay $0x4  }
0x32: {  	(xrf2) =	vadd.scan.msk.f32 $0xffff, v0;
	_ =	sdelay $0x2  }
0x33: {  	(v2sf) =	vpush v1, $0xF;
	_ =	sdelay $0x6  }
0x34: {  	v0, _, _ =	vpop (xrf2)  }
0x35: {  	(v2sf) =	vpush v0, $0xF;
	_ =	sdelay $0x6  }
0x36: {  	s30 =	spop (v2sf)  }
0x37: {  	s11 =	sadd.f32 s30, s12;
	_ =	sdelay $0x1  }
0x38: {  	v0 =	vadd.f32 s11, v0  }
0x39: {  	s10 =	sadd.s32 $0x1, s10  }
0x3a: {  	p0 =	sne.s32 s10, s5;
	[tilespmem:s13+$0xC00] =	vst v0  }
0x3b: {  	[hbm4b:s4+s6] =	stream.linear.scatter [tilespmem:s9], [sflag:$0x1], $0x800, $0x38;
	[tilespmem:$0x1400] =	vst v63  }
.Ltmp2:
0x3c: {  	_ = 	snop;
	(pc) =	sbr.rel @p0 .LBB2_2-.Ltmp2, $4  }
0x3d: {  	s31 =	spop (v2sf)  }
0x3e: {  	_ =	swait.ge [sflag:s7], $0x800  }
0x3f: {  	[sflag:s7] =	ssyncset.done $0x0  }
0x40: {  	[sflag:s7] =	ssyncadd.s32 $0xFFFFF800  }
.LBB2_5:
0x41: {  	_ =	sfence.sel $0x180000  }
0x42: {  	[bflag:$0x0] =	sbarrier.arrive $0xFFFF  }
0x43: {  	p0 =	sne.s32 s0, $0x0;
	_ =	strace $0x90000047  }
0x44: {  	s0 =	sadd.s32 @!p0 $0x100000, s2;
	[bflag:$0x2] =	sbarrier.arrive $0xFFFF  }
0x45: {  	[sflag:s0] =	ssyncadd.tile.s32 @!p0 $0x1;
	_ =	shalt  }
.Lfunc_end2:
_tile_overlayer_lowered:
.L_overlay_start_2:
0x46: {  	(tag) =	ssettag $0x2  }
0x47: {  	s0 =	rddreg [dreg:$0x0];
	s2 =	stileid.u32  }
0x48: {  	s1 =	rddreg [dreg:$0x1];
	p0 =	sne.s32 s2, $0x0  }
0x49: {  	s3 =	rddreg [dreg:$0x2];
	[bflag:$0x3] =	sbarrier.arrive $0xFFFF;
	s2 =	simm.s32 @!p0 $0x1C01  }
0x4a: {  	[timem:s3], [sflag:s2] =	dma.local @!p0 [hbm:s0], s1  }
0x4b: {  	s0 =	simm.s32 @!p0 $0x1  }
0x4c: {  	_ =	swait.ge @!p0 [sflag:s0], s1  }
0x4d: {  	s1 =	ssub.s32 @!p0 $0x0, s1;
	[sflag:s0] =	ssyncset.done @!p0 $0x0  }
0x4e: {  	[sflag:s0] =	ssyncadd.s32 @!p0 s1  }
0x4f: {  	[bflag:$0x3] =	sbarrier.arrive $0xFFFF  }
0x50: {  	_ =	shalt  }

</sc_bundles>
